<compile_context>
chip_gen: v7x
topology: tpu7x:2x2x1
jax: 0.10.2.dev20260603
libtpu: 0.0.44.dev20260713+nightly
codegen_flags: <defaults>
</compile_context>

<pallas_src>
import functools

import jax
import jax.numpy as jnp
from jax import lax
from jax.experimental import pallas as pl
from jax.experimental.pallas import tpu as pltpu
from jax.experimental.pallas import tpu_sc as plsc

NCLS = 100
BATCH = 16384
NC = 2
NS = 16
L = 16
NW = NC * NS
CHUNK = BATCH // NW
NV = CHUNK // L
CW_PAD = 112

_LN2_HI = 0.693359375
_LN2_LO = -2.12194440e-4
_SQRTHF = 0.70710678118654752440


def _log_f32(x):
    bits = plsc.bitcast(x, jnp.int32)
    e = (bits >> 23) - 126
    m = plsc.bitcast(
        (bits & jnp.int32(0x007FFFFF)) | jnp.int32(0x3F000000), jnp.float32
    )
    below = m < _SQRTHF
    e = jnp.where(below, e - 1, e)
    t = jnp.where(below, m + m - 1.0, m - 1.0)
    ef = e.astype(jnp.float32)

    z = t * t
    p = jnp.full((L,), 7.0376836292e-2, jnp.float32)
    p = p * t - 1.1514610310e-1
    p = p * t + 1.1676998740e-1
    p = p * t - 1.2420140846e-1
    p = p * t + 1.4249322787e-1
    p = p * t - 1.6668057665e-1
    p = p * t + 2.0000714765e-1
    p = p * t - 2.4999993993e-1
    p = p * t + 3.3333331174e-1
    y = t * z * p
    y = y + ef * _LN2_LO
    y = y - 0.5 * z
    return t + y + ef * _LN2_HI


_MESH = plsc.VectorSubcoreMesh(core_axis_name="c", subcore_axis_name="s")


@functools.partial(
    pl.kernel,
    mesh=_MESH,
    compiler_params=pltpu.CompilerParams(
        needs_layout_passes=False, use_tc_tiling_on_sc=True
    ),
    out_type=jax.ShapeDtypeStruct((NW // 8, L * 8), jnp.float32),
    scratch_types=[
        pltpu.VMEM((CHUNK,), jnp.int32),
        pltpu.VMEM((NCLS, CHUNK), jnp.float32),
        pltpu.VMEM((CW_PAD,), jnp.float32),
        pltpu.VMEM((L,), jnp.float32),
        pltpu.SemaphoreType.DMA,
    ],
)
def _bce_sc(yt_hbm, ypt_hbm, cw_hbm, out_hbm, yt_v, cols_v, cw_v, res_v, sem):
    wid = lax.axis_index("s") * NC + lax.axis_index("c")
    base = wid * CHUNK

    cols_copy = pltpu.async_copy(ypt_hbm.at[:, pl.ds(base, CHUNK)], cols_v, sem)
    pltpu.sync_copy(yt_hbm.at[pl.ds(base, CHUNK)], yt_v)
    cw_v[pl.ds(CW_PAD - L, L)] = jnp.zeros((L,), jnp.float32)
    pltpu.sync_copy(cw_hbm, cw_v.at[pl.ds(0, NCLS)])

    lane = lax.iota(jnp.int32, L)

    sw_vec = cw_v[pl.ds(0, L)]
    for j in range(1, CW_PAD // L):
        sw_vec = sw_vec + cw_v[pl.ds(j * L, L)]
    for s in (8, 4, 2, 1):
        res_v[...] = sw_vec
        sw_vec = sw_vec + plsc.load_gather(res_v, [lane ^ s])
    scale = -1.0 / (sw_vec * float(BATCH))
    cols_copy.wait()

    def body(j, acc):
        yt16 = yt_v[pl.ds(j * L, L)]
        col16 = lane + j * L
        p16 = plsc.load_gather(cols_v, [yt16, col16])
        w16 = plsc.load_gather(cw_v, [yt16])
        pc = jnp.minimum(jnp.maximum(p16, 0.01), 0.99) + 0.01
        return acc + w16 * _log_f32(pc)

    acc = lax.fori_loop(0, NV, body, jnp.zeros((L,), jnp.float32))

    res_v[...] = acc * scale
    pltpu.sync_copy(res_v, out_hbm.at[wid // 8, pl.ds((wid % 8) * L, L)])


def kernel(y_true, y_pred, class_weight):
    yt = y_true.reshape(-1).astype(jnp.int32)
    partials = _bce_sc(yt, y_pred.T, class_weight)
    return jnp.sum(partials)

# --- scband reference (transcript-rebuilt; emitter-appended) ---
"""Pipeline reference for scband-bceloss-21844203668116 (READ-ONLY COPY).

The authoritative reference and input builder live on the scoring server;
editing this copy changes nothing except your own understanding.
"""

import jax, jax.numpy as jnp
import numpy as np

NUM_CLASSES = 100

def setup_inputs(seed: int = 0) -> dict:
    key = jax.random.key(seed)
    k1, k2 = jax.random.split(key)
    y_true = jax.random.randint(k1, (16384, 1), 0, NUM_CLASSES, dtype=jnp.int64)
    y_pred = jax.random.uniform(k2, (16384, NUM_CLASSES), dtype=jnp.float32)
    class_weight = jnp.ones((NUM_CLASSES,), dtype=jnp.float32)
    return {"y_true": y_true, "y_pred": y_pred, "class_weight": class_weight}

def reference(y_true, y_pred, class_weight):
    B = y_true.shape[0]
    # torch.scatter(zeros, 1, y_true, 1): one-hot along dim 1 using index y_true [B,1]
    rows = jnp.arange(B)[:, None]
    onehot = jnp.zeros((B, NUM_CLASSES), dtype=jnp.float32).at[rows, y_true].set(1.0)
    y_pred_c = jnp.clip(y_pred, 0.01, 1.0 - 0.01)
    bce = -onehot * jnp.log(y_pred_c + 0.01) * class_weight
    loss = jnp.sum(bce)
    return loss / (jnp.sum(class_weight) * B)

if __name__ == "__main__":
    import jax
    _d = setup_inputs()
    print(jax.jit(kernel)(*tuple(_d.values())))

</pallas_src>

<mosaic_0001>
#map = affine_map<(d0, d1) -> (0)>
#map1 = affine_map<(d0, d1) -> (0, 0)>
module attributes {stable_mosaic.version = 14 : i64} {
  func.func @_bce_sc(%arg0: i32, %arg1: i32, %arg2: memref<16384xi32, #tpu.memory_space<hbm>>, %arg3: memref<100x16384xf32, #tpu.memory_space<hbm>>, %arg4: memref<100xf32, #tpu.memory_space<hbm>>, %arg5: memref<4x128xf32, #tpu.memory_space<hbm>>, %arg6: memref<512xi32, #tpu.memory_space<vmem>>, %arg7: memref<100x512xf32, #tpu.memory_space<vmem>>, %arg8: memref<112xf32, #tpu.memory_space<vmem>>, %arg9: memref<16xf32, #tpu.memory_space<vmem>>, %arg10: memref<!tpu.dma_semaphore, #tpu.memory_space<semaphore_mem>>) attributes {dimension_semantics = [#tpu.dimension_semantics<core_parallel>, #tpu.dimension_semantics<subcore_parallel>], iteration_bounds = array<i64: 2, 16>, scalar_prefetch = 0 : i64, scratch_operands = 5 : i64, tpu.core_type = #tpu.core_type<sc_vector_subcore>, window_params = [{transform_indices = #map}, {transform_indices = #map1}, {transform_indices = #map}, {transform_indices = #map1}]} {
    %mul3A = arith.constant 2 : i32
    %mul3A_0 = arith.muli %arg1, %mul3A : i32
    %add3A = arith.addi %mul3A_0, %arg0 : i32
    %mul3A_1 = arith.constant 512 : i32
    %mul3A_2 = arith.muli %add3A, %mul3A_1 : i32
    %dma_start3A = arith.constant 0 : i32
    %dma_start3A_3 = tpu.memref_slice %arg3[%dma_start3A, %mul3A_2] : memref<100x16384xf32, #tpu.memory_space<hbm>> -> memref<100x512xf32, #tpu.memory_space<hbm>>
    %dma_start3A_4 = arith.constant 0 : i32
    %dma_start3A_5 = tpu.memref_slice %arg3[%dma_start3A_4, %mul3A_2] : memref<100x16384xf32, #tpu.memory_space<hbm>> -> memref<100x512xf32, #tpu.memory_space<hbm>>
    tpu.enqueue_dma source(%dma_start3A_5 : memref<100x512xf32, #tpu.memory_space<hbm>>) target(%arg7 : memref<100x512xf32, #tpu.memory_space<vmem>>) target_semaphore(%arg10 : memref<!tpu.dma_semaphore, #tpu.memory_space<semaphore_mem>>)
    "tpu.region"() ({
      %run_scoped3A = tpu.sem_alloc : memref<!tpu.dma_semaphore, #tpu.memory_space<semaphore_mem>>
      %dma_start3A_104 = tpu.memref_slice %arg2[%mul3A_2] : memref<16384xi32, #tpu.memory_space<hbm>> -> memref<512xi32, #tpu.memory_space<hbm>>
      %dma_start3A_105 = tpu.memref_slice %arg2[%mul3A_2] : memref<16384xi32, #tpu.memory_space<hbm>> -> memref<512xi32, #tpu.memory_space<hbm>>
      tpu.enqueue_dma source(%dma_start3A_105 : memref<512xi32, #tpu.memory_space<hbm>>) target(%arg6 : memref<512xi32, #tpu.memory_space<vmem>>) target_semaphore(%run_scoped3A : memref<!tpu.dma_semaphore, #tpu.memory_space<semaphore_mem>>)
      %dma_wait3A_106 = tpu.memref_slice %arg2[%mul3A_2] : memref<16384xi32, #tpu.memory_space<hbm>> -> memref<512xi32, #tpu.memory_space<hbm>>
      %dma_wait3A_107 = tpu.memref_slice %arg2[%mul3A_2] : memref<16384xi32, #tpu.memory_space<hbm>> -> memref<512xi32, #tpu.memory_space<hbm>>
      tpu.wait_dma2 semaphore(%run_scoped3A : memref<!tpu.dma_semaphore, #tpu.memory_space<semaphore_mem>>) src(%dma_wait3A_107 : memref<512xi32, #tpu.memory_space<hbm>>) dst(%arg6 : memref<512xi32, #tpu.memory_space<vmem>>)
      tpu.yield
    }) : () -> ()
    %broadcast_in_dim3A = arith.constant 0.000000e+00 : f32
    %broadcast_in_dim3A_6 = vector.broadcast %broadcast_in_dim3A : f32 to vector<16xf32>
    %swap3A = arith.constant 96 : index
    %swap3A_7 = tpu.vector_load %arg8[%swap3A] {strides = array<i32>} : memref<112xf32, #tpu.memory_space<vmem>>, vector<16xf32>,
    tpu.vector_store %arg8[%swap3A], %broadcast_in_dim3A_6 {strides = array<i32>} : memref<112xf32, #tpu.memory_space<vmem>>, vector<16xf32>,
    "tpu.region"() ({
      %run_scoped3A = tpu.sem_alloc : memref<!tpu.dma_semaphore, #tpu.memory_space<semaphore_mem>>
      %dma_start3A_104 = arith.constant 0 : i32
      %dma_start3A_105 = tpu.memref_slice %arg8[%dma_start3A_104] : memref<112xf32, #tpu.memory_space<vmem>> -> memref<100xf32, #tpu.memory_space<vmem>>
      %dma_start3A_106 = arith.constant 0 : i32
      %dma_start3A_107 = tpu.memref_slice %arg8[%dma_start3A_106] : memref<112xf32, #tpu.memory_space<vmem>> -> memref<100xf32, #tpu.memory_space<vmem>>
      tpu.enqueue_dma source(%arg4 : memref<100xf32, #tpu.memory_space<hbm>>) target(%dma_start3A_107 : memref<100xf32, #tpu.memory_space<vmem>>) target_semaphore(%run_scoped3A : memref<!tpu.dma_semaphore, #tpu.memory_space<semaphore_mem>>)
      %dma_wait3A_108 = arith.constant 0 : i32
      %dma_wait3A_109 = tpu.memref_slice %arg8[%dma_wait3A_108] : memref<112xf32, #tpu.memory_space<vmem>> -> memref<100xf32, #tpu.memory_space<vmem>>
      %dma_wait3A_110 = arith.constant 0 : i32
      %dma_wait3A_111 = tpu.memref_slice %arg8[%dma_wait3A_110] : memref<112xf32, #tpu.memory_space<vmem>> -> memref<100xf32, #tpu.memory_space<vmem>>
      tpu.wait_dma2 semaphore(%run_scoped3A : memref<!tpu.dma_semaphore, #tpu.memory_space<semaphore_mem>>) src(%arg4 : memref<100xf32, #tpu.memory_space<hbm>>) dst(%dma_wait3A_111 : memref<100xf32, #tpu.memory_space<vmem>>)
      tpu.yield
    }) : () -> ()
    %iota3A = tpu.iota {dimensions = array<i32: 0>} : vector<16xi32>
    %get3A = arith.constant 0 : index
    %get3A_8 = tpu.vector_load %arg8[%get3A] {strides = array<i32>} : memref<112xf32, #tpu.memory_space<vmem>>, vector<16xf32>,
    %get3A_9 = arith.constant 16 : index
    %get3A_10 = tpu.vector_load %arg8[%get3A_9] {strides = array<i32>} : memref<112xf32, #tpu.memory_space<vmem>>, vector<16xf32>,
    %add3A_11 = arith.addf %get3A_8, %get3A_10 : vector<16xf32>
    %get3A_12 = arith.constant 32 : index
    %get3A_13 = tpu.vector_load %arg8[%get3A_12] {strides = array<i32>} : memref<112xf32, #tpu.memory_space<vmem>>, vector<16xf32>,
    %add3A_14 = arith.addf %add3A_11, %get3A_13 : vector<16xf32>
    %get3A_15 = arith.constant 48 : index
    %get3A_16 = tpu.vector_load %arg8[%get3A_15] {strides = array<i32>} : memref<112xf32, #tpu.memory_space<vmem>>, vector<16xf32>,
    %add3A_17 = arith.addf %add3A_14, %get3A_16 : vector<16xf32>
    %get3A_18 = arith.constant 64 : index
    %get3A_19 = tpu.vector_load %arg8[%get3A_18] {strides = array<i32>} : memref<112xf32, #tpu.memory_space<vmem>>, vector<16xf32>,
    %add3A_20 = arith.addf %add3A_17, %get3A_19 : vector<16xf32>
    %get3A_21 = arith.constant 80 : index
    %get3A_22 = tpu.vector_load %arg8[%get3A_21] {strides = array<i32>} : memref<112xf32, #tpu.memory_space<vmem>>, vector<16xf32>,
    %add3A_23 = arith.addf %add3A_20, %get3A_22 : vector<16xf32>
    %get3A_24 = arith.constant 96 : index
    %get3A_25 = tpu.vector_load %arg8[%get3A_24] {strides = array<i32>} : memref<112xf32, #tpu.memory_space<vmem>>, vector<16xf32>,
    %add3A_26 = arith.addf %add3A_23, %get3A_25 : vector<16xf32>
    %swap3A_27 = arith.constant 0 : index
    %swap3A_28 = tpu.vector_load %arg9[%swap3A_27] {strides = array<i32>} : memref<16xf32, #tpu.memory_space<vmem>>, vector<16xf32>,
    tpu.vector_store %arg9[%swap3A_27], %add3A_26 {strides = array<i32>} : memref<16xf32, #tpu.memory_space<vmem>>, vector<16xf32>,
    %xor3A = arith.constant 8 : i32
    %xor3A_29 = vector.broadcast %xor3A : i32 to vector<16xi32>
    %xor3A_30 = arith.xori %iota3A, %xor3A_29 : vector<16xi32>
    %gather3A = tpu.vector_load_idx %arg9[%xor3A_30] : memref<16xf32, #tpu.memory_space<vmem>>[vector<16xi32>], vector<16xf32>,
    %add3A_31 = arith.addf %add3A_26, %gather3A : vector<16xf32>
    %swap3A_32 = arith.constant 0 : index
    %swap3A_33 = tpu.vector_load %arg9[%swap3A_32] {strides = array<i32>} : memref<16xf32, #tpu.memory_space<vmem>>, vector<16xf32>,
    tpu.vector_store %arg9[%swap3A_32], %add3A_31 {strides = array<i32>} : memref<16xf32, #tpu.memory_space<vmem>>, vector<16xf32>,
    %xor3A_34 = arith.constant 4 : i32
    %xor3A_35 = vector.broadcast %xor3A_34 : i32 to vector<16xi32>
    %xor3A_36 = arith.xori %iota3A, %xor3A_35 : vector<16xi32>
    %gather3A_37 = tpu.vector_load_idx %arg9[%xor3A_36] : memref<16xf32, #tpu.memory_space<vmem>>[vector<16xi32>], vector<16xf32>,
    %add3A_38 = arith.addf %add3A_31, %gather3A_37 : vector<16xf32>
    %swap3A_39 = arith.constant 0 : index
    %swap3A_40 = tpu.vector_load %arg9[%swap3A_39] {strides = array<i32>} : memref<16xf32, #tpu.memory_space<vmem>>, vector<16xf32>,
    tpu.vector_store %arg9[%swap3A_39], %add3A_38 {strides = array<i32>} : memref<16xf32, #tpu.memory_space<vmem>>, vector<16xf32>,
    %xor3A_41 = arith.constant 2 : i32
    %xor3A_42 = vector.broadcast %xor3A_41 : i32 to vector<16xi32>
    %xor3A_43 = arith.xori %iota3A, %xor3A_42 : vector<16xi32>
    %gather3A_44 = tpu.vector_load_idx %arg9[%xor3A_43] : memref<16xf32, #tpu.memory_space<vmem>>[vector<16xi32>], vector<16xf32>,
    %add3A_45 = arith.addf %add3A_38, %gather3A_44 : vector<16xf32>
    %swap3A_46 = arith.constant 0 : index
    %swap3A_47 = tpu.vector_load %arg9[%swap3A_46] {strides = array<i32>} : memref<16xf32, #tpu.memory_space<vmem>>, vector<16xf32>,
    tpu.vector_store %arg9[%swap3A_46], %add3A_45 {strides = array<i32>} : memref<16xf32, #tpu.memory_space<vmem>>, vector<16xf32>,
    %xor3A_48 = arith.constant 1 : i32
    %xor3A_49 = vector.broadcast %xor3A_48 : i32 to vector<16xi32>
    %xor3A_50 = arith.xori %iota3A, %xor3A_49 : vector<16xi32>
    %gather3A_51 = tpu.vector_load_idx %arg9[%xor3A_50] : memref<16xf32, #tpu.memory_space<vmem>>[vector<16xi32>], vector<16xf32>,
    %add3A_52 = arith.addf %add3A_45, %gather3A_51 : vector<16xf32>
    %mul3A_53 = arith.constant 1.638400e+04 : f32
    %mul3A_54 = vector.broadcast %mul3A_53 : f32 to vector<16xf32>
    %mul3A_55 = arith.mulf %add3A_52, %mul3A_54 : vector<16xf32>
    %div3A = arith.constant -1.000000e+00 : f32
    %div3A_56 = vector.broadcast %div3A : f32 to vector<16xf32>
    %div3A_57 = arith.divf %div3A_56, %mul3A_55 : vector<16xf32>
    %dma_wait3A = arith.constant 0 : i32
    %dma_wait3A_58 = tpu.memref_slice %arg3[%dma_wait3A, %mul3A_2] : memref<100x16384xf32, #tpu.memory_space<hbm>> -> memref<100x512xf32, #tpu.memory_space<hbm>>
    %dma_wait3A_59 = arith.constant 0 : i32
    %dma_wait3A_60 = tpu.memref_slice %arg3[%dma_wait3A_59, %mul3A_2] : memref<100x16384xf32, #tpu.memory_space<hbm>> -> memref<100x512xf32, #tpu.memory_space<hbm>>
    tpu.wait_dma2 semaphore(%arg10 : memref<!tpu.dma_semaphore, #tpu.memory_space<semaphore_mem>>) src(%dma_wait3A_60 : memref<100x512xf32, #tpu.memory_space<hbm>>) dst(%arg7 : memref<100x512xf32, #tpu.memory_space<vmem>>)
    %broadcast_in_dim3A_61 = arith.constant 0.000000e+00 : f32
    %broadcast_in_dim3A_62 = vector.broadcast %broadcast_in_dim3A_61 : f32 to vector<16xf32>
    %scan3A = arith.constant 0 : i32
    %scan3A_63 = arith.constant 32 : i32
    %scan3A_64 = arith.addi %scan3A, %scan3A_63 : i32
    %scan3A_65 = arith.constant 1 : i32
    %scan3A_66 = scf.for %scan3A_104 = %scan3A to %scan3A_64 step %scan3A_65 iter_args(%scan3A_105 = %broadcast_in_dim3A_62) -> (vector<16xf32>)  : i32 {
      %mul3A_106 = arith.constant 16 : i32
      %mul3A_107 = arith.muli %scan3A_104, %mul3A_106 : i32
      %get3A_108 = arith.index_cast %mul3A_107 : i32 to index
      %get3A_109 = tpu.vector_load %arg6[%get3A_108] {strides = array<i32>} : memref<512xi32, #tpu.memory_space<vmem>>, vector<16xi32>,
      %mul3A_110 = arith.constant 16 : i32
      %mul3A_111 = arith.muli %scan3A_104, %mul3A_110 : i32
      %add3A_112 = vector.broadcast %mul3A_111 : i32 to vector<16xi32>
      %add3A_113 = arith.addi %iota3A, %add3A_112 : vector<16xi32>
      %gather3A_114 = tpu.vector_load_idx %arg7[%get3A_109, %add3A_113] : memref<100x512xf32, #tpu.memory_space<vmem>>[vector<16xi32>, vector<16xi32>], vector<16xf32>,
      %gather3A_115 = tpu.vector_load_idx %arg8[%get3A_109] : memref<112xf32, #tpu.memory_space<vmem>>[vector<16xi32>], vector<16xf32>,
      %max3A = arith.constant 0.00999999977 : f32
      %max3A_116 = vector.broadcast %max3A : f32 to vector<16xf32>
      %max3A_117 = arith.maximumf %gather3A_114, %max3A_116 : vector<16xf32>
      %min3A = arith.constant 9.900000e-01 : f32
      %min3A_118 = vector.broadcast %min3A : f32 to vector<16xf32>
      %min3A_119 = arith.minimumf %max3A_117, %min3A_118 : vector<16xf32>
      %add3A_120 = arith.constant 0.00999999977 : f32
      %add3A_121 = vector.broadcast %add3A_120 : f32 to vector<16xf32>
      %add3A_122 = arith.addf %min3A_119, %add3A_121 : vector<16xf32>
      %bitcast3A = vector.bitcast %add3A_122 : vector<16xf32> to vector<16xi32>
      %shift_right_arithmetic3A = arith.constant 23 : i32
      %shift_right_arithmetic3A_123 = vector.broadcast %shift_right_arithmetic3A : i32 to vector<16xi32>
      %shift_right_arithmetic3A_124 = arith.shrsi %bitcast3A, %shift_right_arithmetic3A_123 : vector<16xi32>
      %sub3A_125 = arith.constant 126 : i32
      %sub3A_126 = vector.broadcast %sub3A_125 : i32 to vector<16xi32>
      %sub3A_127 = arith.subi %shift_right_arithmetic3A_124, %sub3A_126 : vector<16xi32>
      %and3A_128 = arith.constant 8388607 : i32
      %and3A_129 = vector.broadcast %and3A_128 : i32 to vector<16xi32>
      %and3A_130 = arith.andi %bitcast3A, %and3A_129 : vector<16xi32>
      %or3A = arith.constant 1056964608 : i32
      %or3A_131 = vector.broadcast %or3A : i32 to vector<16xi32>
      %or3A_132 = arith.ori %and3A_130, %or3A_131 : vector<16xi32>
      %bitcast3A_133 = vector.bitcast %or3A_132 : vector<16xi32> to vector<16xf32>
      %lt3A_134 = arith.constant 0.707106769 : f32
      %lt3A_135 = vector.broadcast %lt3A_134 : f32 to vector<16xf32>
      %lt3A_136 = arith.cmpf olt, %bitcast3A_133, %lt3A_135 : vector<16xf32>
      %sub3A_137 = arith.constant 1 : i32
      %sub3A_138 = vector.broadcast %sub3A_137 : i32 to vector<16xi32>
      %sub3A_139 = arith.subi %sub3A_127, %sub3A_138 : vector<16xi32>
      %select_n3A_140 = arith.select %lt3A_136, %sub3A_139, %sub3A_127 : vector<16xi1>, vector<16xi32>
      %add3A_141 = arith.addf %bitcast3A_133, %bitcast3A_133 : vector<16xf32>
      %sub3A_142 = arith.constant 1.000000e+00 : f32
      %sub3A_143 = vector.broadcast %sub3A_142 : f32 to vector<16xf32>
      %sub3A_144 = arith.subf %add3A_141, %sub3A_143 : vector<16xf32>
      %sub3A_145 = arith.constant 1.000000e+00 : f32
      %sub3A_146 = vector.broadcast %sub3A_145 : f32 to vector<16xf32>
      %sub3A_147 = arith.subf %bitcast3A_133, %sub3A_146 : vector<16xf32>
      %select_n3A_148 = arith.select %lt3A_136, %sub3A_144, %sub3A_147 : vector<16xi1>, vector<16xf32>
      %convert_element_type3A = arith.sitofp %select_n3A_140 : vector<16xi32> to vector<16xf32>
      %mul3A_149 = arith.mulf %select_n3A_148, %select_n3A_148 : vector<16xf32>
      %broadcast_in_dim3A_150 = arith.constant 0.0703768358 : f32
      %broadcast_in_dim3A_151 = vector.broadcast %broadcast_in_dim3A_150 : f32 to vector<16xf32>
      %mul3A_152 = arith.mulf %broadcast_in_dim3A_151, %select_n3A_148 : vector<16xf32>
      %sub3A_153 = arith.constant 0.115146101 : f32
      %sub3A_154 = vector.broadcast %sub3A_153 : f32 to vector<16xf32>
      %sub3A_155 = arith.subf %mul3A_152, %sub3A_154 : vector<16xf32>
      %mul3A_156 = arith.mulf %sub3A_155, %select_n3A_148 : vector<16xf32>
      %add3A_157 = arith.constant 0.116769984 : f32
      %add3A_158 = vector.broadcast %add3A_157 : f32 to vector<16xf32>
      %add3A_159 = arith.addf %mul3A_156, %add3A_158 : vector<16xf32>
      %mul3A_160 = arith.mulf %add3A_159, %select_n3A_148 : vector<16xf32>
      %sub3A_161 = arith.constant 0.12420141 : f32
      %sub3A_162 = vector.broadcast %sub3A_161 : f32 to vector<16xf32>
      %sub3A_163 = arith.subf %mul3A_160, %sub3A_162 : vector<16xf32>
      %mul3A_164 = arith.mulf %sub3A_163, %select_n3A_148 : vector<16xf32>
      %add3A_165 = arith.constant 0.142493233 : f32
      %add3A_166 = vector.broadcast %add3A_165 : f32 to vector<16xf32>
      %add3A_167 = arith.addf %mul3A_164, %add3A_166 : vector<16xf32>
      %mul3A_168 = arith.mulf %add3A_167, %select_n3A_148 : vector<16xf32>
      %sub3A_169 = arith.constant 0.166680574 : f32
      %sub3A_170 = vector.broadcast %sub3A_169 : f32 to vector<16xf32>
      %sub3A_171 = arith.subf %mul3A_168, %sub3A_170 : vector<16xf32>
      %mul3A_172 = arith.mulf %sub3A_171, %select_n3A_148 : vector<16xf32>
      %add3A_173 = arith.constant 0.200007141 : f32
      %add3A_174 = vector.broadcast %add3A_173 : f32 to vector<16xf32>
      %add3A_175 = arith.addf %mul3A_172, %add3A_174 : vector<16xf32>
      %mul3A_176 = arith.mulf %add3A_175, %select_n3A_148 : vector<16xf32>
      %sub3A_177 = arith.constant 0.24999994 : f32
      %sub3A_178 = vector.broadcast %sub3A_177 : f32 to vector<16xf32>
      %sub3A_179 = arith.subf %mul3A_176, %sub3A_178 : vector<16xf32>
      %mul3A_180 = arith.mulf %sub3A_179, %select_n3A_148 : vector<16xf32>
      %add3A_181 = arith.constant 0.333333313 : f32
      %add3A_182 = vector.broadcast %add3A_181 : f32 to vector<16xf32>
      %add3A_183 = arith.addf %mul3A_180, %add3A_182 : vector<16xf32>
      %mul3A_184 = arith.mulf %select_n3A_148, %mul3A_149 : vector<16xf32>
      %mul3A_185 = arith.mulf %mul3A_184, %add3A_183 : vector<16xf32>
      %mul3A_186 = arith.constant -2.12194442E-4 : f32
      %mul3A_187 = vector.broadcast %mul3A_186 : f32 to vector<16xf32>
      %mul3A_188 = arith.mulf %convert_element_type3A, %mul3A_187 : vector<16xf32>
      %add3A_189 = arith.addf %mul3A_185, %mul3A_188 : vector<16xf32>
      %mul3A_190 = arith.constant 5.000000e-01 : f32
      %mul3A_191 = vector.broadcast %mul3A_190 : f32 to vector<16xf32>
      %mul3A_192 = arith.mulf %mul3A_191, %mul3A_149 : vector<16xf32>
      %sub3A_193 = arith.subf %add3A_189, %mul3A_192 : vector<16xf32>
      %add3A_194 = arith.addf %select_n3A_148, %sub3A_193 : vector<16xf32>
      %mul3A_195 = arith.constant 0.693359375 : f32
      %mul3A_196 = vector.broadcast %mul3A_195 : f32 to vector<16xf32>
      %mul3A_197 = arith.mulf %convert_element_type3A, %mul3A_196 : vector<16xf32>
      %add3A_198 = arith.addf %add3A_194, %mul3A_197 : vector<16xf32>
      %mul3A_199 = arith.mulf %gather3A_115, %add3A_198 : vector<16xf32>
      %add3A_200 = arith.addf %scan3A_105, %mul3A_199 : vector<16xf32>
      scf.yield %add3A_200 : vector<16xf32>
    }
    %scan3A_67 = arith.constant 32 : i32
    %mul3A_68 = arith.mulf %scan3A_66, %div3A_57 : vector<16xf32>
    %swap3A_69 = arith.constant 0 : index
    %swap3A_70 = tpu.vector_load %arg9[%swap3A_69] {strides = array<i32>} : memref<16xf32, #tpu.memory_space<vmem>>, vector<16xf32>,
    tpu.vector_store %arg9[%swap3A_69], %mul3A_68 {strides = array<i32>} : memref<16xf32, #tpu.memory_space<vmem>>, vector<16xf32>,
    %jit3A = arith.constant 8 : i32
    %div3A_71 = arith.divsi %add3A, %jit3A : i32
    %sign3A = arith.constant 0 : i32
    %sign3A_72 = arith.cmpi sgt, %add3A, %sign3A : i32
    %sign3A_73 = arith.extui %sign3A_72 : i1 to i32
    %sign3A_74 = arith.constant 0 : i32
    %sign3A_75 = arith.cmpi slt, %add3A, %sign3A_74 : i32
    %sign3A_76 = arith.extui %sign3A_75 : i1 to i32
    %sign3A_77 = arith.subi %sign3A_73, %sign3A_76 : i32
    %sign3A_78 = arith.constant 0 : i32
    %sign3A_79 = arith.cmpi sgt, %jit3A, %sign3A_78 : i32
    %sign3A_80 = arith.extui %sign3A_79 : i1 to i32
    %sign3A_81 = arith.constant 0 : i32
    %sign3A_82 = arith.cmpi slt, %jit3A, %sign3A_81 : i32
    %sign3A_83 = arith.extui %sign3A_82 : i1 to i32
    %sign3A_84 = arith.subi %sign3A_80, %sign3A_83 : i32
    %ne3A = arith.cmpi ne, %sign3A_77, %sign3A_84 : i32
    %rem3A = arith.remsi %add3A, %jit3A : i32
    %ne3A_85 = arith.constant 0 : i32
    %ne3A_86 = arith.cmpi ne, %rem3A, %ne3A_85 : i32
    %and3A = arith.andi %ne3A, %ne3A_86 : i1
    %sub3A = arith.constant 1 : i32
    %sub3A_87 = arith.subi %div3A_71, %sub3A : i32
    %select_n3A = arith.select %and3A, %sub3A_87, %div3A_71 : i32
    %jit3A_88 = arith.constant 8 : i32
    %eq3A = arith.constant 0 : i32
    %eq3A_89 = arith.cmpi eq, %jit3A_88, %eq3A : i32
    %jit3A_90 = arith.constant 1 : i32
    %select_n3A_91 = arith.select %eq3A_89, %jit3A_90, %jit3A_88 : i32
    %rem3A_92 = arith.remsi %add3A, %select_n3A_91 : i32
    %ne3A_93 = arith.constant 0 : i32
    %ne3A_94 = arith.cmpi ne, %rem3A_92, %ne3A_93 : i32
    %lt3A = arith.constant 0 : i32
    %lt3A_95 = arith.cmpi slt, %rem3A_92, %lt3A : i32
    %lt3A_96 = arith.constant 0 : i32
    %lt3A_97 = arith.cmpi slt, %select_n3A_91, %lt3A_96 : i32
    %ne3A_98 = arith.xori %lt3A_95, %lt3A_97 : i1
    %and3A_99 = arith.andi %ne3A_98, %ne3A_94 : i1
    %add3A_100 = arith.addi %rem3A_92, %select_n3A_91 : i32
    %select_n3A_101 = arith.select %and3A_99, %add3A_100, %rem3A_92 : i32
    %mul3A_102 = arith.constant 16 : i32
    %mul3A_103 = arith.muli %select_n3A_101, %mul3A_102 : i32
    "tpu.region"() ({
      %run_scoped3A = tpu.sem_alloc : memref<!tpu.dma_semaphore, #tpu.memory_space<semaphore_mem>>
      %dma_start3A_104 = tpu.memref_slice %arg5[%select_n3A, %mul3A_103] : memref<4x128xf32, #tpu.memory_space<hbm>> -> memref<1x16xf32, #tpu.memory_space<hbm>>
      %dma_start3A_105 = tpu.memref_squeeze %dma_start3A_104 : memref<1x16xf32, #tpu.memory_space<hbm>> -> memref<16xf32, #tpu.memory_space<hbm>>
      %dma_start3A_106 = tpu.memref_slice %arg5[%select_n3A, %mul3A_103] : memref<4x128xf32, #tpu.memory_space<hbm>> -> memref<1x16xf32, #tpu.memory_space<hbm>>
      %dma_start3A_107 = tpu.memref_squeeze %dma_start3A_106 : memref<1x16xf32, #tpu.memory_space<hbm>> -> memref<16xf32, #tpu.memory_space<hbm>>
      tpu.enqueue_dma source(%arg9 : memref<16xf32, #tpu.memory_space<vmem>>) target(%dma_start3A_107 : memref<16xf32, #tpu.memory_space<hbm>>) target_semaphore(%run_scoped3A : memref<!tpu.dma_semaphore, #tpu.memory_space<semaphore_mem>>)
      %dma_wait3A_108 = tpu.memref_slice %arg5[%select_n3A, %mul3A_103] : memref<4x128xf32, #tpu.memory_space<hbm>> -> memref<1x16xf32, #tpu.memory_space<hbm>>
      %dma_wait3A_109 = tpu.memref_squeeze %dma_wait3A_108 : memref<1x16xf32, #tpu.memory_space<hbm>> -> memref<16xf32, #tpu.memory_space<hbm>>
      %dma_wait3A_110 = tpu.memref_slice %arg5[%select_n3A, %mul3A_103] : memref<4x128xf32, #tpu.memory_space<hbm>> -> memref<1x16xf32, #tpu.memory_space<hbm>>
      %dma_wait3A_111 = tpu.memref_squeeze %dma_wait3A_110 : memref<1x16xf32, #tpu.memory_space<hbm>> -> memref<16xf32, #tpu.memory_space<hbm>>
      tpu.wait_dma2 semaphore(%run_scoped3A : memref<!tpu.dma_semaphore, #tpu.memory_space<semaphore_mem>>) src(%arg9 : memref<16xf32, #tpu.memory_space<vmem>>) dst(%dma_wait3A_111 : memref<16xf32, #tpu.memory_space<hbm>>)
      tpu.yield
    }) : () -> ()
    return
  }
}

</mosaic_0001>

<sc_bundles>
// kernel: kernel.3.cloned.1.call-start
scs
__scs_entry_jumppad:
0x0: {  	(pc) =	sbr.rel $0x88, $3  }
0x1: {  	(tag) =	ssettag $0x0;
	lr =	simm.s32 $0x1  }
0x2: {  	[smem:$0x3F9E] =	sst lr;
	_ =	strace $0xD0000000  }
0x3: {  	_ = 	snop  }
0x4: {  	_ = 	snop  }
0x5: {  	_ = 	snop  }
0x6: {  	_ = 	snop  }
0x7: {  	_ = 	snop  }
__scs_overlays_trampoline_lowered:
0x8: {  	[smem:$0x3FAD] =	sst s0  }
0x9: {  	[smem:$0x3FAE] =	sst s1  }
0xa: {  	[smem:$0x3FAF] =	sst s2  }
0xb: {  	[smem:$0x3FB0] =	sst s3  }
0xc: {  	[smem:$0x3FB1] =	sst s4  }
0xd: {  	[smem:$0x3FB2] =	sst s5  }
0xe: {  	[smem:$0x3FB3] =	sst s6  }
0xf: {  	[smem:$0x3FB4] =	sst s7  }
0x10: {  	[smem:$0x3FB5] =	sst s8  }
0x11: {  	[smem:$0x3FB6] =	sst s9;
	s0 =	simm.s32 @!p0 $0x0  }
0x12: {  	s1 =	sld [smem:$0x3F9C];
	s0 =	simm.s32 @p0 $0x1  }
0x13: {  	[smem:$0x3FB7] =	sst s0;
	s0 =	simm.s32 @!p1 $0x0  }
0x14: {  	s2 =	sld [smem:$0x3F9B];
	s0 =	simm.s32 @p1 $0x1  }
0x15: {  	[smem:$0x3FB8] =	sst s0;
	s0 =	simm.s32 @!p2 $0x0  }
0x16: {  	s3 =	sld [smem:$0x3FDB];
	s0 =	simm.s32 @p2 $0x1  }
0x17: {  	s4 =	simm.s32 $0x1BF5;
	[smem:$0x3FBA] =	sst s0  }
0x18: {  	s0 =	sld [smem:$0x3F9D];
	_ =	swait.ge [sflag:s4], $0x0  }
0x19: {  	s7 =	sld [smem:$0x3F9E]  }
0x1a: {  	s8 =	sadd.s32 $0xFFFFE003, lr  }
0x1b: {  	s9 =	sadd.s32 $0xFFFFFEF7, lr;
	s5 =	simm.s32 $0xFFFFFFFF;
	p2 =	slt.u32 s8, $0xFFFFF086  }
0x1c: {  	p1 =	slt.u32 s9, $0xF7A;
	s5 =	simm.s32 @!p2 $0x0  }
0x1d: {  	s5 =	simm.s32 @p1 $0x1;
	p0 =	seq.s32 s7, s2  }
0x1e: {  	s7 =	smul.u32 @!p0 $0xF7A, s2;
	p2 =	seq.s32 @!p0 s5, $0x0  }
0x1f: {  	s9 =	smul.u32 $0xF7A, s1;
	s8 =	simm.s32 @!p0 $0x1BF5;
	p2 =	por !p2, p0  }
0x20: {  	[sflag:s8] =	ssyncset.s32 @!p0 $0xFFFFF086;
	s6 =	sadd.s32 @!p0 s3, s7;
	s7 =	simm.s32 @!p0 $0x108  }
0x21: {  	s3 =	sadd.s32 s3, s9;
	s6 =	sadd.s32 @!p0 $0x88, s6;
	s7 =	simm.s32 @p2 $0x1082  }
0x22: {  	[simem:s7], [sflag:s8] =	dma.local @!p0 [hbm:s6], $0xF7A  }
0x23: {  	s9 =	sor.u32 $0xD0000000, s2;
	s6 =	simm.s32 $0x108;
	_ =	swait.ge @!p0 [sflag:s8], $0x0  }
0x24: {  	s3 =	sadd.s32 $0x88, s3;
	s6 =	simm.s32 @!p1 $0x1082;
	[sflag:s4] =	ssyncset.s32 $0xFFFFF086  }
0x25: {  	[simem:s6], [sflag:s4] =	dma.local [hbm:s3], $0xF7A  }
0x26: {  	[smem:$0x3F9E] =	sst s1;
	(tag) =	ssettag s2;
	_ =	strace s9  }
0x27: {  	s1 =	sld [smem:$0x3FAE]  }
0x28: {  	s2 =	sld [smem:$0x3FAF]  }
0x29: {  	s4 =	sld [smem:$0x3FB1]  }
0x2a: {  	p0 =	seq.s32 s5, $0x0;
	s5 =	sld [smem:$0x3FB2]  }
0x2b: {  	s6 =	sld [smem:$0x3FB3]  }
0x2c: {  	s7 =	sld [smem:$0x3FB4]  }
0x2d: {  	s3 =	simm.s32 $0x108;
	s8 =	sld [smem:$0x3FB5]  }
0x2e: {  	s3 =	simm.s32 @!p0 $0x1082;
	s9 =	sld [smem:$0x3FB6]  }
0x2f: {  	lr =	sadd.s32 s0, s3;
	s0 =	sld [smem:$0x3FAD]  }
0x30: {  	s3 =	sld [smem:$0x3FB0]  }
0x31: {  	[smem:$0x3FB9] =	sst s10  }
0x32: {  	s10 =	sld [smem:$0x3FB7];
	_ =	sdelay $0x3  }
0x33: {  	p0 =	seq.s32 s10, $0x1;
	s10 =	sld [smem:$0x3FB9];
	_ =	sdelay $0x3  }
0x34: {  	[smem:$0x3FB9] =	sst s10  }
0x35: {  	s10 =	sld [smem:$0x3FB8];
	_ =	sdelay $0x3  }
0x36: {  	p1 =	seq.s32 s10, $0x1;
	s10 =	sld [smem:$0x3FB9];
	_ =	sdelay $0x3  }
0x37: {  	[smem:$0x3FB9] =	sst s10  }
0x38: {  	s10 =	sld [smem:$0x3FBA]  }
0x39: {  	_ = 	snop;
	(pc) =	sbr.ind lr, $3  }
0x3a: {  	_ = 	snop  }
0x3b: {  	_ = 	snop  }
0x3c: {  	p2 =	seq.s32 s10, $0x1;
	s10 =	sld [smem:$0x3FB9]  }
0x3d: {  	_ =	shalt  }
0x3e: {  	_ =	shalt  }
0x3f: {  	_ =	shalt  }
0x40: {  	_ =	shalt  }
0x41: {  	_ =	shalt  }
0x42: {  	_ =	shalt  }
0x43: {  	_ =	shalt  }
0x44: {  	_ =	shalt  }
0x45: {  	_ =	shalt  }
0x46: {  	_ =	shalt  }
0x47: {  	_ =	shalt  }
0x48: {  	_ =	shalt  }
0x49: {  	_ =	shalt  }
0x4a: {  	_ =	shalt  }
0x4b: {  	_ =	shalt  }
0x4c: {  	_ =	shalt  }
0x4d: {  	_ =	shalt  }
0x4e: {  	_ =	shalt  }
0x4f: {  	_ =	shalt  }
0x50: {  	_ =	shalt  }
0x51: {  	_ =	shalt  }
0x52: {  	_ =	shalt  }
0x53: {  	_ =	shalt  }
0x54: {  	_ =	shalt  }
0x55: {  	_ =	shalt  }
0x56: {  	_ =	shalt  }
0x57: {  	_ =	shalt  }
0x58: {  	_ =	shalt  }
0x59: {  	_ =	shalt  }
0x5a: {  	_ =	shalt  }
0x5b: {  	_ =	shalt  }
0x5c: {  	_ =	shalt  }
0x5d: {  	_ =	shalt  }
0x5e: {  	_ =	shalt  }
0x5f: {  	_ =	shalt  }
0x60: {  	_ =	shalt  }
0x61: {  	_ =	shalt  }
0x62: {  	_ =	shalt  }
0x63: {  	_ =	shalt  }
0x64: {  	_ =	shalt  }
0x65: {  	_ =	shalt  }
0x66: {  	_ =	shalt  }
0x67: {  	_ =	shalt  }
0x68: {  	_ =	shalt  }
0x69: {  	_ =	shalt  }
0x6a: {  	_ =	shalt  }
0x6b: {  	_ =	shalt  }
0x6c: {  	_ =	shalt  }
0x6d: {  	_ =	shalt  }
0x6e: {  	_ =	shalt  }
0x6f: {  	_ =	shalt  }
0x70: {  	_ =	shalt  }
0x71: {  	_ =	shalt  }
0x72: {  	_ =	shalt  }
0x73: {  	_ =	shalt  }
0x74: {  	_ =	shalt  }
0x75: {  	_ =	shalt  }
0x76: {  	_ =	shalt  }
0x77: {  	_ =	shalt  }
0x78: {  	_ =	shalt  }
0x79: {  	_ =	shalt  }
0x7a: {  	_ =	shalt  }
0x7b: {  	_ =	shalt  }
0x7c: {  	_ =	shalt  }
0x7d: {  	_ =	shalt  }
0x7e: {  	_ =	shalt  }
0x7f: {  	_ =	shalt  }
0x80: {  	_ =	shalt  }
0x81: {  	_ =	shalt  }
0x82: {  	_ =	shalt  }
0x83: {  	_ =	shalt  }
0x84: {  	_ =	shalt  }
0x85: {  	_ =	shalt  }
0x86: {  	_ =	shalt  }
0x87: {  	_ =	shalt  }
.Lfunc_end0:
.L_simem_size_0:
called_computation_lowered:
.L_overlay_start_0:
0x88: {  	s2 =	sld [smem:$0x3FD9]  }
0x89: {  	s3 =	sld [smem:$0x3FFE];
	_ =	sdelay $0x1  }
0x8a: {  	s1 =	srdreg.scid  }
0x8b: {  	s0 =	sand.u32 $0x1, s1  }
0x8c: {  	s17 =	sshll.u32 s0, $0xA;
	s2 =	sadd.s32 s3, s2  }
0x8d: {  	s2 =	sadd.s32 s2, s17  }
0x8e: {  	[smem:$0x3FC5] =	sst s2  }
0x8f: {  	_ = 	snop  }
0x90: {  	s2 =	sld [smem:$0x3FC9]  }
0x91: {  	s18 =	sld [smem:$0x3FC8]  }
0x92: {  	s4 =	sld [smem:$0x3FC7];
	(tm) =	ssettm $0x1  }
0x93: {  	s5 =	sld [smem:$0x3FFB];
	_ =	sdelay $0x3  }
0x94: {  	_ =	strace s5  }
0x95: {  	s5 =	sld [smem:$0x3FFC];
	_ =	sdelay $0x3  }
0x96: {  	_ =	strace s5  }
0x97: {  	s5 =	sld [smem:$0x3FFD];
	_ =	sdelay $0x3  }
0x98: {  	_ =	strace s5  }
0x99: {  	_ =	strace $0x8FFFFFFF  }
0x9a: {  	s19 =	sld [smem:$0x3FDB];
	_ =	sdelay $0x1  }
0x9b: {  	s6 =	simm.s32 $_scs_section_size  }
0x9c: {  	s7 =	simm.s32 $_size__tile_overlayer_lowered;
	s8 =	simm.s32 $_tile_overlayer_lowered  }
0x9d: {  	s22 =	simm.s32 $0x1BFF;
	s21 =	sshll.u32 s8, $0x1;
	s5 =	sadd.s32 s6, s19  }
0x9e: {  	s9 =	simm.s32 $0x0;
	s20 =	sshll.u32 s7, $0x1;
	s7 =	sadd.s32 s21, s5  }
0x9f: {  	[timem:s9], [sflag:s22] =	dma.local [hbm:s7], s20  }
0xa0: {  	_ =	swait.ge [sflag:s22], s20  }
0xa1: {  	s6 =	ssub.s32 $0x0, s20;
	[sflag:s22] =	ssyncset.done $0x0  }
0xa2: {  	[sflag:s22] =	ssyncadd.s32 s6;
	_ =	sdelay $0x1  }
0xa3: {  	s23 =	simm.s32 $0x1B8B  }
0xa4: {  	_ =	swait.ge [sflag:s23], $0x1  }
0xa5: {  	[sflag:s23] =	ssyncset.done $0x0  }
0xa6: {  	s25 =	simm.s32 $0x1B8E;
	s24 =	sld [smem:$0x3FFE];
	[sflag:s23] =	ssyncadd.s32 $0xFFFFFFFF  }
0xa7: {  	s26 =	simm.s32 $execute0_lowered;
	[smem:$0x3FD2] =	sst s25  }
0xa8: {  	s7 =	sshll.u32 s26, $0x1;
	_ =	strace $0x80000046;
	[dreg:$0x1] =	wrdreg $0xFFFFFFFF  }
0xa9: {  	s28 =	simm.s32 $_size_execute0_lowered;
	s5 =	sadd.s32 s5, s7;
	[dreg:$0x0] =	wrdreg $0x0  }
0xaa: {  	s7 =	sshll.u32 s28, $0x1;
	[dreg:$0x2] =	wrdreg s5  }
0xab: {  	[dreg:$0x3] =	wrdreg s7  }
0xac: {  	[dreg:$0x4] =	wrdreg $0xC0  }
0xad: {  	_ =	task [dreg:s9], $0x5FFFF  }
0xae: {  	[dreg:$0x1] =	wrdreg $0xFFFFFFFF  }
0xaf: {  	[dreg:$0x0] =	wrdreg $0x60  }
0xb0: {  	[dreg:$0x2] =	wrdreg s2  }
0xb1: {  	[dreg:$0x3] =	wrdreg s18  }
0xb2: {  	[dreg:$0x4] =	wrdreg s4  }
0xb3: {  	[dreg:$0x5] =	wrdreg s24  }
0xb4: {  	[dreg:$0x6] =	wrdreg $0x9  }
0xb5: {  	_ =	task.clear_ibuf [dreg:s9], $0x7FFFF;
	_ =	strace $0x90000046  }
0xb6: {  	s29 =	simm.s32 $0x9;
	_ =	strace $0x80000048  }
0xb7: {  	_ =	swait.ge [sflag:s29], $0x1  }
0xb8: {  	[sflag:s29] =	ssyncadd.s32 $0xFFFFFFFF  }
0xb9: {  	_ =	strace $0x90000048  }
0xba: {  	_ =	sfence  }
0xbb: {  	s30 =	sld [smem:$0x0];
	_ =	sdelay $0x2  }
0xbc: {  	s31 =	sshll.u32 s1, $0xD;
	s1 =	sshrl.u32 s1, $0x2  }
0xbd: {  	s3 =	sand.u32 $0x4000, s31;
	s1 =	sadd.s32 s1, s30  }
0xbe: {  	s0 =	sor.u32 s3, s0;
	s1 =	sshll.u32 s1, $0x11  }
0xbf: {  	s0 =	sor.u32 s1, s0  }
0xc0: {  	s0 =	sadd.s32 $0x8F2B, s0  }
0xc1: {  	[sflag:s0] =	ssyncadd.remote.s32 $0x1  }
0xc2: {  	_ =	sfence.sel $0xFFFF  }
0xc3: {  	[dreg:$0x0] =	wrdreg $0xFFFFFFFF;
	(pc) =	sbr.abs _section_cstart, $3  }
0xc4: {  	[dreg:$0x1] =	wrdreg $0xFFFFFFFF  }
0xc5: {  	_ =	task.clear_ibuf [dreg:s9], $0x2FFFF;
	_ =	strace $0x9FFFFFFF  }
0xc6: {  	(tm) =	ssettm $0x7FFFFFFF  }
0xc7: {  	_ =	shalt  }
tec
execute0_lowered:
.L_overlay_start_1:
0x0: {  	(tag) =	ssettag $0x1  }
0x1: {  	s5 =	rddreg [dreg:$0x0]  }
0x2: {  	s4 =	rddreg [dreg:$0x1]  }
0x3: {  	s0 =	rddreg [dreg:$0x2];
	v0 =	vimm.s32 $0x76543210;
	v1 =	vimm.s32 $0xFEDCBA98;
	v2 =	vimm.s32 $0xBA98FEDC  }
0x4: {  	s6 =	rddreg [dreg:$0x3];
	s3 =	srdreg.scid;
	v3 =	vimm.s32 $0x32107654;
	v4 =	vimm.s32 $0xDCFE98BA;
	v5 =	vimm.s32 $0x54761032  }
0x5: {  	s1 =	rddreg [dreg:$0x4];
	s2 =	simm.s32 $0x0;
	v6 =	vimm.s32 $0xEFCDAB89;
	v7 =	vimm.s32 $0x67452301;
	s12 =	simm.s32 $0xD200  }
0x6: {  	s13 =	simm.s32 $0xD280;
	s14 =	simm.s32 $0x1;
	s15 =	simm.s32 $0x0;
	v0 =	vunpack.c.l.s4.s8 v0;
	v1 =	vunpack.c.l.s4.s8 v1;
	v2 =	vunpack.c.l.s4.s8 v2  }
0x7: {  	s7 =	sand.u32 $0x1, s3;
	[smem:$0x7FF] =	sst s2;
	s3 =	stileid.u32;
	v3 =	vunpack.c.l.s4.s8 v3;
	v4 =	vunpack.c.l.s4.s8 v4;
	v5 =	vunpack.c.l.s4.s8 v5  }
0x8: {  	v6 =	vunpack.c.l.s4.s8 v6;
	v7 =	vunpack.c.l.s4.s8 v7;
	s8 =	ssub.s32 $0x2, s7;
	_ =	strace $0x80000047;
	s10 =	sshll.u32 s3, $0x1;
	v2 =	vunpack.c.0.s8.s32 v2  }
0x9: {  	s31 =	sshll.u32 s3, $0x2;
	s9 =	sshrl.u32 s8, $0x1;
	s7 =	sor.u32 s7, s10;
	v3 =	vunpack.c.0.s8.s32 v3;
	v4 =	vunpack.c.0.s8.s32 v4;
	v5 =	vunpack.c.0.s8.s32 v5  }
0xa: {  	v1 =	vunpack.c.0.s8.s32 v1;
	v6 =	vunpack.c.0.s8.s32 v6;
	v7 =	vunpack.c.0.s8.s32 v7;
	s8 =	ssub.s32 s8, s9;
	s10 =	sshll.u32 s7, $0x9;
	s11 =	sshll.u32 s7, $0x1  }
0xb: {  	v0 =	vunpack.c.0.s8.s32 v0;
	s9 =	sand.u32 $0x30, s31;
	s7 =	sshll.u32 s7, $0x6;
	s11 =	sand.u32 $0xE, s11;
	v2 =	vcombine.low v3, v2  }
0xc: {  	s6 =	sadd.s32 s6, s9;
	v3 =	vcombine.low v5, v4;
	s4 =	sadd.s32 s4, s10;
	s5 =	sadd.s32 s5, s7;
	v1 =	vand.u32 $0xF, v1;
	v4 =	vcombine.low v7, v6  }
0xd: {  	s7 =	smax.u32 s8, $0x1;
	s8 =	simm.s32 $0x1000;
	s9 =	simm.s32 $0x20000;
	v5 =	vimm.s32 $0xFFFFFF82;
	v0 =	vcombine.low v1, v0;
	v1 =	vand.u32 $0xF, v2  }
0xe: {  	s10 =	simm.s32 $0x200;
	s6 =	sadd.s32 s11, s6;
	s11 =	simm.s32 $0x2;
	v2 =	vand.u32 $0xF, v3;
	v3 =	vand.u32 $0xF, v4;
	v4 =	vlaneseq.u32  }
.LBB2_1:
0xf: {  	[tilespmem:s10], [sflag:$0x1] =	stream.strided.gather [hbm4b:s4+s8], $0xD000, s9, s8, $0x38;
	[tilespmem:$0xD300] =	vst v63  }
0x10: {  	_ = 	snop  }
0x11: {  	[tilespmem:s2], [sflag:$0x2] =	stream.linear.gather [hbm4b:s5+s2], $0x200, $0x38;
	[tilespmem:$0xD300] =	vst v63  }
0x12: {  	_ =	swait.ge [sflag:s11], $0x200  }
0x13: {  	[sflag:s11] =	ssyncset.done $0x0  }
0x14: {  	v6 =	vimm.f32 $0.0e+00;
	[sflag:s11] =	ssyncadd.s32 $0xFFFFFE00  }
0x15: {  	[tilespmem:$0xD260] =	vst v6  }
0x16: {  	[tilespmem:s12], [sflag:$0x2] =	stream.linear.gather [hbm4b:s0+s2], $0x64, $0x38;
	[tilespmem:$0xD300] =	vst v63  }
0x17: {  	_ =	swait.ge [sflag:s11], $0x64  }
0x18: {  	[sflag:s11] =	ssyncset.done $0x0  }
0x19: {  	[sflag:s11] =	ssyncadd.s32 $0xFFFFFF9C  }
0x1a: {  	v7 =	vld [tilespmem:$0xD200]  }
0x1b: {  	v8 =	vld [tilespmem:$0xD210];
	_ =	sdelay $0x1  }
0x1c: {  	v9 =	vld [tilespmem:$0xD220];
	_ =	sdelay $0x1  }
0x1d: {  	v10 =	vld [tilespmem:$0xD230]  }
0x1e: {  	v7 =	vadd.f32 v8, v7  }
0x1f: {  	v8 =	vld [tilespmem:$0xD240]  }
0x20: {  	v7 =	vadd.f32 v9, v7  }
0x21: {  	v9 =	vld [tilespmem:$0xD250]  }
0x22: {  	v7 =	vadd.f32 v10, v7  }
0x23: {  	v10 =	vld [tilespmem:$0xD260]  }
0x24: {  	v7 =	vadd.f32 v8, v7;
	_ =	sdelay $0x1  }
0x25: {  	v7 =	vadd.f32 v9, v7;
	_ =	sdelay $0x1  }
0x26: {  	v7 =	vadd.f32 v10, v7;
	_ =	sdelay $0x1  }
0x27: {  	[tilespmem:$0xD280] =	vst v7  }
0x28: {  	v8 =	vld.idx.msk [tilespmem:v0+s13+$0x0], $0xffff;
	_ =	sdelay $0x4  }
0x29: {  	v7 =	vadd.f32 v8, v7;
	_ =	sdelay $0x1  }
0x2a: {  	[tilespmem:$0xD280] =	vst v7  }
0x2b: {  	v8 =	vld.idx.msk [tilespmem:v1+s13+$0x0], $0xffff;
	_ =	sdelay $0x4  }
0x2c: {  	v7 =	vadd.f32 v8, v7;
	_ =	sdelay $0x1  }
0x2d: {  	[tilespmem:$0xD280] =	vst v7  }
0x2e: {  	v8 =	vld.idx.msk [tilespmem:v2+s13+$0x0], $0xffff;
	_ =	sdelay $0x4  }
0x2f: {  	v7 =	vadd.f32 v8, v7;
	_ =	sdelay $0x1  }
0x30: {  	[tilespmem:$0xD280] =	vst v7  }
0x31: {  	v8 =	vld.idx.msk [tilespmem:v3+s13+$0x0], $0xffff;
	_ =	swait.ge [sflag:s14], $0xD000  }
0x32: {  	[sflag:s14] =	ssyncset.done $0x0  }
0x33: {  	[sflag:s14] =	ssyncadd.s32 $0xFFFF3000  }
0x34: {  	v12 =	vld [tilespmem:s2+$0x0];
	_ =	sdelay $0x2  }
0x35: {  	v9 =	vmov s2  }
0x36: {  	v9 =	vshll.u32 v9, $0x3;
	v10 =	vor.u32 s2, v4  }
0x37: {  	v9 =	vand.u32 $0xC00, v9;
	v10 =	vand.u32 $0x7F, v10;
	v11 =	vshll.u32 v12, $0x9  }
0x38: {  	v9 =	vor.u32 v9, v10;
	v13 =	vshll.u32 v12, $0x7;
	v11 =	vand.u32 $0xFFFFF000, v11  }
0x39: {  	v10 =	vand.u32 $0x380, v13;
	v9 =	vor.u32 v11, v9  }
0x3a: {  	v9 =	vor.u32 v10, v9;
	_ =	sdelay $0x4  }
0x3b: {  	s16 =	simm.s32 $0x10;
	v10 =	vld.idx.msk [tilespmem:v9+s10+$0x0], $0xffff  }
0x3c: {  	v9 =	vld [tilespmem:s16+$0x0];
	_ =	sdelay $0x1  }
0x3d: {  	v11 =	vmov s16  }
0x3e: {  	v13 =	vor.u32 s16, v4;
	v11 =	vshll.u32 v11, $0x3  }
0x3f: {  	v13 =	vand.u32 $0x7F, v13;
	v11 =	vand.u32 $0xC00, v11  }
0x40: {  	v11 =	vor.u32 v11, v13;
	v14 =	vshll.u32 v9, $0x9  }
0x41: {  	s29 =	simm.s32 $0x20;
	v10 =	vmax.f32 v10, $9.999999770e-03;
	v15 =	vshll.u32 v9, $0x7;
	v14 =	vand.u32 $0xFFFFF000, v14  }
0x42: {  	v13 =	vmin.f32 v10, $9.900000090e-01;
	v15 =	vand.u32 $0x380, v15;
	v10 =	vld [tilespmem:s29+$0x0];
	v11 =	vor.u32 v14, v11  }
0x43: {  	v13 =	vadd.f32 $9.999999770e-03, v13;
	v11 =	vor.u32 v15, v11;
	_ =	sdelay $0x1  }
0x44: {  	v16 =	vor.u32 s29, v4;
	v15 =	vmov s29;
	v14 =	vand.u32 $0x7FFFFF, v13  }
0x45: {  	v16 =	vand.u32 $0x7F, v16;
	v15 =	vshll.u32 v15, $0x3;
	v14 =	vor.u32 $0x3F000000, v14  }
0x46: {  	v15 =	vand.u32 $0xC00, v15;
	v17 =	vshll.u32 v10, $0x9;
	v18 =	vshll.u32 v10, $0x7  }
0x47: {  	v15 =	vor.u32 v15, v16;
	vm0 =	vlt.f32 v14, $7.071067690e-01;
	v17 =	vand.u32 $0xFFFFF000, v17;
	v11 =	vld.idx.msk [tilespmem:v11+s10+$0x0], $0xffff  }
0x48: {  	v16 =	vand.u32 $0x380, v18;
	v15 =	vor.u32 v17, v15;
	v17 =	vnsel vm0, $0x80000000, v14  }
0x49: {  	v15 =	vor.u32 v16, v15;
	v14 =	vadd.f32 v14, v17;
	_ =	sdelay $0x1  }
0x4a: {  	v16 =	vadd.f32 $-1.000000000e+00, v14  }
0x4b: {  	v13 =	vshra.s32 v13, $0x17;
	v11 =	vmax.f32 v11, $9.999999770e-03  }
0x4c: {  	s30 =	simm.s32 $0x30;
	v14 =	vsel vm0, $0xFFFFFF81, v5;
	v18 =	vmul.f32 $7.037683580e-02, v16;
	v11 =	vmin.f32 v11, $9.900000090e-01  }
0x4d: {  	s31 =	simm.s32 $0x40;
	v21 =	vor.u32 s30, v4;
	v15 =	vld.idx.msk [tilespmem:v15+s10+$0x0], $0xffff;
	v19 =	vadd.f32 $9.999999770e-03, v11;
	v11 =	vadd.s32 v13, v14  }
0x4e: {  	v27 =	vmov s31;
	v14 =	vadd.f32 $-1.151461010e-01, v18;
	v17 =	vcvt.s32.f32 v11;
	v11 =	vld [tilespmem:s30+$0x0]  }
0x4f: {  	v13 =	vand.u32 $0x7FFFFF, v19;
	v18 =	vshra.s32 v19, $0x17;
	v19 =	vmov s30  }
0x50: {  	v14 =	vmul.f32 v14, v16;
	v13 =	vor.u32 $0x3F000000, v13;
	v19 =	vshll.u32 v19, $0x3  }
0x51: {  	v21 =	vand.u32 $0x7F, v21;
	vm13 =	vlt.f32 v13, $7.071067690e-01;
	v19 =	vand.u32 $0xC00, v19  }
0x52: {  	v15 =	vmax.f32 v15, $9.999999770e-03;
	v14 =	vadd.f32 $1.167699840e-01, v14;
	v20 =	vnsel vm13, $0x80000000, v13  }
0x53: {  	v15 =	vmin.f32 v15, $9.900000090e-01;
	v19 =	vor.u32 v19, v21;
	v22 =	vshll.u32 v11, $0x9  }
0x54: {  	v15 =	vadd.f32 $9.999999770e-03, v15;
	v23 =	vshll.u32 v11, $0x7;
	v22 =	vand.u32 $0xFFFFF000, v22  }
0x55: {  	v14 =	vmul.f32 v14, v16;
	v21 =	vand.u32 $0x380, v23;
	v19 =	vor.u32 v22, v19  }
0x56: {  	v13 =	vadd.f32 v13, v20;
	v23 =	vand.u32 $0x7FFFFF, v15;
	v24 =	vor.u32 v21, v19  }
0x57: {  	v22 =	vsel vm13, $0xFFFFFF81, v5;
	v14 =	vadd.f32 $-1.242014100e-01, v14;
	v20 =	vor.u32 $0x3F000000, v23  }
0x58: {  	v19 =	vadd.s32 v18, v22;
	v18 =	vadd.f32 $-1.000000000e+00, v13;
	vm14 =	vlt.f32 v20, $7.071067690e-01  }
0x59: {  	v28 =	vor.u32 s31, v4;
	v14 =	vmul.f32 v14, v16;
	v13 =	vnsel vm14, $0x80000000, v20  }
0x5a: {  	v25 =	vmul.f32 v16, v16;
	v13 =	vadd.f32 v20, v13;
	v20 =	vmul.f32 $7.037683580e-02, v18  }
0x5b: {  	v15 =	vshra.s32 v15, $0x17;
	v26 =	vsel vm14, $0xFFFFFF81, v5;
	v23 =	vld.idx.msk [tilespmem:v24+s10+$0x0], $0xffff;
	v24 =	vadd.f32 $1.424932330e-01, v14  }
0x5c: {  	v14 =	vadd.f32 $-1.000000000e+00, v13;
	v13 =	vadd.s32 v15, v26;
	v26 =	vadd.f32 $-1.151461010e-01, v20  }
0x5d: {  	v27 =	vshll.u32 v27, $0x3;
	v15 =	vcvt.s32.f32 v13;
	v13 =	vld [tilespmem:s31+$0x0];
	v24 =	vmul.f32 v24, v16  }
0x5e: {  	v28 =	vand.u32 $0x7F, v28;
	v27 =	vand.u32 $0xC00, v27;
	v26 =	vmul.f32 v26, v18  }
0x5f: {  	v27 =	vor.u32 v27, v28;
	v29 =	vmul.f32 v25, v16;
	v24 =	vadd.f32 $-1.666805740e-01, v24  }
0x60: {  	v19 =	vcvt.s32.f32 v19;
	v26 =	vadd.f32 $1.167699840e-01, v26;
	v23 =	vmax.f32 v23, $9.999999770e-03  }
0x61: {  	v21 =	vmul.f32 v18, v18;
	v23 =	vmin.f32 v23, $9.900000090e-01;
	v24 =	vmul.f32 v24, v16  }
0x62: {  	v30 =	vshll.u32 v13, $0x9;
	v31 =	vshll.u32 v13, $0x7;
	v26 =	vmul.f32 v26, v18  }
0x63: {  	v23 =	vadd.f32 $9.999999770e-03, v23;
	v30 =	vand.u32 $0xFFFFF000, v30;
	v24 =	vadd.f32 $2.000071410e-01, v24  }
0x64: {  	v22 =	vmul.f32 v21, v18;
	v31 =	vand.u32 $0x380, v31;
	v27 =	vor.u32 v30, v27  }
0x65: {  	v26 =	vadd.f32 $-1.242014100e-01, v26;
	v28 =	vand.u32 $0x7FFFFF, v23;
	v24 =	vmul.f32 v24, v16  }
0x66: {  	v33 =	vshra.s32 v23, $0x17;
	v31 =	vor.u32 v31, v27;
	v23 =	vor.u32 $0x3F000000, v28  }
0x67: {  	v63 =	vmul.f32 v26, v18;
	vm15 =	vlt.f32 v23, $7.071067690e-01;
	v24 =	vadd.f32 $-2.499999400e-01, v24  }
0x68: {  	v32 =	vmul.f32 $7.037683580e-02, v14;
	v20 =	vmul.f32 v14, v14;
	v27 =	vnsel vm15, $0x80000000, v23  }
0x69: {  	v28 =	vsel vm15, $0xFFFFFF81, v5;
	v35 =	vadd.f32 $1.424932330e-01, v63;
	v30 =	vmul.f32 v24, v16  }
0x6a: {  	v27 =	vadd.f32 v23, v27;
	v23 =	vmul.f32 v20, v14;
	v28 =	vadd.s32 v33, v28  }
0x6b: {  	v33 =	vadd.f32 $-1.151461010e-01, v32;
	v26 =	vcvt.s32.f32 v28;
	v34 =	vadd.f32 $3.333333130e-01, v30  }
0x6c: {  	v28 =	vmul.f32 $-2.121944420e-04, v17;
	v31 =	vld.idx.msk [tilespmem:v31+s10+$0x0], $0xffff;
	v32 =	vmul.f32 v35, v18;
	v24 =	vadd.f32 $-1.000000000e+00, v27  }
0x6d: {  	v27 =	vmul.f32 $-5.000000000e-01, v25;
	v29 =	vmul.f32 v34, v29  }
0x6e: {  	s17 =	simm.s32 $0x50;
	s16 =	simm.s32 $0x50;
	v30 =	vmul.f32 $7.037683580e-02, v24;
	v25 =	vmul.f32 v24, v24  }
.LBB2_2:
0x6f: {  	v34 =	vld [tilespmem:s17+$0x0];
	v35 =	vmov s16;
	p0 =	sne.s32 s16, $0x1F0;
	v28 =	vadd.f32 v28, v29;
	v29 =	vmul.f32 $6.933593750e-01, v17;
	v17 =	vmovc v19;
	v19 =	vmovc v15;
	s18 =	smov.u32 s16;
	s16 =	sadd.s32 $0x10, s16  }
0x70: {  	v15 =	vmovc v26;
	v36 =	vmovc v30;
	v35 =	vshll.u32 v35, $0x3;
	v33 =	vmul.f32 v33, v14;
	v32 =	vadd.f32 $-1.666805740e-01, v32  }
0x71: {  	v30 =	vmax.f32 v31, $9.999999770e-03;
	v26 =	vand.u32 $0xC00, v35;
	v27 =	vadd.f32 v27, v28  }
0x72: {  	v28 =	vmin.f32 v30, $9.900000090e-01;
	v30 =	vadd.f32 $1.167699840e-01, v33;
	v31 =	vmul.f32 v32, v18;
	v32 =	vld.idx.msk [tilespmem:v12+s12+$0x0], $0xffff;
	v12 =	vmovc v9;
	v9 =	vmovc v10  }
0x73: {  	v33 =	vor.u32 s18, v4;
	v28 =	vadd.f32 $9.999999770e-03, v28;
	v10 =	vmovc v11;
	v11 =	vmovc v13;
	v27 =	vadd.f32 v27, v16  }
0x74: {  	v16 =	vmovc v18;
	v35 =	vshll.u32 v34, $0x9;
	v37 =	vshll.u32 v34, $0x7;
	v31 =	vadd.f32 $2.000071410e-01, v31;
	v13 =	vmovc v34  }
0x75: {  	v33 =	vand.u32 $0x7F, v33;
	v18 =	vmovc v14;
	v14 =	vmovc v24;
	v34 =	vand.u32 $0xFFFFF000, v35;
	v27 =	vadd.f32 v27, v29  }
0x76: {  	v26 =	vor.u32 v26, v33;
	v24 =	vand.u32 $0x380, v37;
	v29 =	vshra.s32 v28, $0x17  }
0x77: {  	v28 =	vand.u32 $0x7FFFFF, v28;
	v26 =	vor.u32 v34, v26;
	v31 =	vmul.f32 v31, v16  }
0x78: {  	v24 =	vor.u32 v24, v26;
	v26 =	vor.u32 $0x3F000000, v28;
	v28 =	vmul.f32 v30, v18  }
0x79: {  	v27 =	vmul.f32 v27, v32;
	vm0 =	vlt.f32 v26, $7.071067690e-01;
	v30 =	vadd.f32 $-2.499999400e-01, v31  }
0x7a: {  	v32 =	vmul.f32 v25, v14;
	v31 =	vnsel vm0, $0x80000000, v26;
	v28 =	vadd.f32 $-1.242014100e-01, v28  }
0x7b: {  	v33 =	vsel vm0, $0xFFFFFF81, v5;
	v26 =	vadd.f32 v26, v31;
	v30 =	vmul.f32 v30, v16  }
.Ltmp0:
0x7c: {  	v6 =	vadd.f32 v27, v6;
	v29 =	vadd.s32 v29, v33;
	v28 =	vmul.f32 v28, v18;
	(pc) =	sbr.rel @p0 .LBB2_2-.Ltmp0, $4  }
0x7d: {  	v31 =	vld.idx.msk [tilespmem:v24+s10+$0x0], $0xffff;
	v24 =	vadd.f32 $-1.000000000e+00, v26;
	v26 =	vcvt.s32.f32 v29;
	v29 =	vadd.f32 $3.333333130e-01, v30  }
0x7e: {  	v27 =	vmul.f32 $-5.000000000e-01, v21;
	v21 =	vmovc v20;
	v20 =	vmovc v25;
	v34 =	vadd.f32 $1.424932330e-01, v28;
	v28 =	vmul.f32 $-2.121944420e-04, v17  }
0x7f: {  	v30 =	vmul.f32 $7.037683580e-02, v24;
	v29 =	vmul.f32 v29, v22;
	v22 =	vmovc v23;
	v23 =	vmov v32  }
0x80: {  	s17 =	sadd.s32 $0x10, s17;
	v33 =	vadd.f32 $-1.151461010e-01, v36;
	v25 =	vmul.f32 v24, v24;
	v32 =	vmul.f32 v34, v18  }
0x81: {  	_ = 	snop  }
0x82: {  	v31 =	vmax.f32 v31, $9.999999770e-03  }
0x83: {  	v31 =	vmin.f32 v31, $9.900000090e-01  }
0x84: {  	v31 =	vadd.f32 $9.999999770e-03, v31;
	_ =	sdelay $0x1  }
0x85: {  	v34 =	vand.u32 $0x7FFFFF, v31  }
0x86: {  	v34 =	vor.u32 $0x3F000000, v34  }
0x87: {  	vm0 =	vlt.f32 v34, $7.071067690e-01  }
0x88: {  	v35 =	vnsel vm0, $0x80000000, v34  }
0x89: {  	v34 =	vadd.f32 v34, v35;
	_ =	sdelay $0x1  }
0x8a: {  	v34 =	vadd.f32 $-1.000000000e+00, v34  }
0x8b: {  	v30 =	vadd.f32 $-1.151461010e-01, v30  }
0x8c: {  	v33 =	vmul.f32 v33, v14;
	v53 =	vmul.f32 $7.037683580e-02, v34  }
0x8d: {  	v30 =	vmul.f32 v30, v24  }
0x8e: {  	v33 =	vadd.f32 $1.167699840e-01, v33;
	v35 =	vadd.f32 $-1.151461010e-01, v53  }
0x8f: {  	v30 =	vadd.f32 $1.167699840e-01, v30  }
0x90: {  	v33 =	vmul.f32 v33, v14;
	v35 =	vmul.f32 v35, v34  }
0x91: {  	v30 =	vmul.f32 v30, v24  }
0x92: {  	v17 =	vmul.f32 $6.933593750e-01, v17;
	v33 =	vadd.f32 $-1.242014100e-01, v33;
	v35 =	vadd.f32 $1.167699840e-01, v35  }
0x93: {  	v38 =	vmul.f32 $-2.121944420e-04, v19;
	v32 =	vadd.f32 $-1.666805740e-01, v32;
	v30 =	vadd.f32 $-1.242014100e-01, v30  }
0x94: {  	v33 =	vmul.f32 v33, v14;
	v35 =	vmul.f32 v35, v34  }
0x95: {  	v28 =	vadd.f32 v28, v29;
	v32 =	vmul.f32 v32, v18;
	v30 =	vmul.f32 v30, v24  }
0x96: {  	v21 =	vmul.f32 $-5.000000000e-01, v21;
	v54 =	vadd.f32 $1.424932330e-01, v33;
	v55 =	vadd.f32 $-1.242014100e-01, v35  }
0x97: {  	v44 =	vmul.f32 $6.933593750e-01, v19;
	v32 =	vadd.f32 $2.000071410e-01, v32;
	v30 =	vadd.f32 $1.424932330e-01, v30  }
0x98: {  	v56 =	vmul.f32 v54, v14;
	v58 =	vmul.f32 v55, v34  }
0x99: {  	v27 =	vadd.f32 v27, v28;
	v57 =	vmul.f32 v32, v18;
	v61 =	vmul.f32 v30, v24  }
0x9a: {  	v48 =	vmul.f32 $-2.121944420e-04, v15;
	v59 =	vadd.f32 $-1.666805740e-01, v56;
	v62 =	vadd.f32 $1.424932330e-01, v58  }
0x9b: {  	v20 =	vmul.f32 $-5.000000000e-01, v20;
	v60 =	vadd.f32 $-2.499999400e-01, v57;
	v29 =	vadd.f32 $-1.666805740e-01, v61  }
0x9c: {  	v16 =	vadd.f32 v27, v16;
	v27 =	vmul.f32 v59, v14;
	v30 =	vmul.f32 v62, v34  }
0x9d: {  	v28 =	vmul.f32 v60, v18;
	v29 =	vmul.f32 v29, v24  }
0x9e: {  	v52 =	vmul.f32 $-2.121944420e-04, v26;
	v27 =	vadd.f32 $2.000071410e-01, v27;
	v30 =	vadd.f32 $-1.666805740e-01, v30  }
0x9f: {  	v36 =	vmul.f32 v25, v24;
	v28 =	vadd.f32 $3.333333130e-01, v28;
	v39 =	vadd.f32 $2.000071410e-01, v29  }
0xa0: {  	v12 =	vld.idx.msk [tilespmem:v12+s12+$0x0], $0xffff;
	v7 =	vadd.f32 v8, v7;
	v27 =	vmul.f32 v27, v14;
	v40 =	vmul.f32 v30, v34  }
0xa1: {  	v22 =	vmul.f32 v28, v22;
	v28 =	vmul.f32 v39, v24  }
0xa2: {  	v7 =	vmul.f32 $1.638400000e+04, v7;
	v27 =	vadd.f32 $-2.499999400e-01, v27;
	v29 =	vadd.f32 $2.000071410e-01, v40  }
0xa3: {  	v63 =	vshra.s32 v31, $0x17;
	v16 =	vadd.f32 v16, v17;
	v41 =	vadd.f32 $-2.499999400e-01, v28  }
0xa4: {  	v37 =	vsel vm0, $0xFFFFFF81, v5;
	v27 =	vmul.f32 v27, v14;
	v42 =	vmul.f32 v29, v34  }
0xa5: {  	v12 =	vmul.f32 v16, v12;
	v17 =	vadd.s32 v63, v37;
	v46 =	vmul.f32 v41, v24  }
0xa6: {  	v17 =	vcvt.s32.f32 v17;
	v27 =	vadd.f32 $3.333333130e-01, v27;
	v47 =	vadd.f32 $-2.499999400e-01, v42  }
0xa7: {  	v43 =	vmul.f32 v34, v34;
	v22 =	vadd.f32 v38, v22;
	v49 =	vadd.f32 $3.333333130e-01, v46  }
0xa8: {  	v23 =	vmul.f32 v27, v23;
	v50 =	vmul.f32 v47, v34  }
0xa9: {  	v6 =	vadd.f32 v12, v6;
	v21 =	vadd.f32 v21, v22;
	v16 =	vmul.f32 v49, v36  }
0xaa: {  	v9 =	vld.idx.msk [tilespmem:v9+s12+$0x0], $0xffff;
	v51 =	vmul.f32 v43, v34;
	v12 =	vadd.f32 v48, v23;
	v53 =	vadd.f32 $3.333333130e-01, v50  }
0xab: {  	v54 =	vmul.f32 $-5.000000000e-01, v25;
	v45 =	vadd.f32 v21, v18;
	v56 =	vadd.f32 v52, v16  }
0xac: {  	v57 =	vmul.f32 $-2.121944420e-04, v17;
	v12 =	vadd.f32 v20, v12;
	v19 =	vmul.f32 v53, v51  }
0xad: {  	v59 =	vmul.f32 $-5.000000000e-01, v43;
	v18 =	vadd.f32 v45, v44;
	v55 =	vld.idx.msk [tilespmem:v10+s12+$0x0], $0xffff;
	v10 =	vadd.f32 v54, v56  }
0xae: {  	v58 =	vmul.f32 $6.933593750e-01, v15;
	v12 =	vadd.f32 v12, v14;
	v16 =	vadd.f32 v57, v19  }
0xaf: {  	v11 =	vld.idx.msk [tilespmem:v11+s12+$0x0], $0xffff;
	(erf) = vrcp.f32 v7;
	v9 =	vmul.f32 v18, v9;
	v10 =	vadd.f32 v10, v24  }
0xb0: {  	v7 =	vmul.f32 $6.933593750e-01, v26;
	v12 =	vadd.f32 v12, v58;
	v14 =	vadd.f32 v59, v16  }
0xb1: {  	v60 =	vld.idx.msk [tilespmem:v13+s12+$0x0], $0xffff;
	v61 =	vmul.f32 $6.933593750e-01, v17;
	v6 =	vadd.f32 v9, v6  }
0xb2: {  	v7 =	vadd.f32 v10, v7;
	v8 =	vmul.f32 v12, v55;
	v62 =	vadd.f32 v14, v34;
	_ =	sdelay $0x1  }
0xb3: {  	v7 =	vmul.f32 v7, v11;
	v6 =	vadd.f32 v8, v6;
	v63 =	vadd.f32 v62, v61;
	_ =	sdelay $0x1  }
0xb4: {  	v6 =	vadd.f32 v7, v6;
	v7 =	vmul.f32 v63, v60;
	_ =	sdelay $0x3  }
0xb5: {  	v6 =	vadd.f32 v7, v6;
	v7 =	vpop (erf)  }
0xb6: {  	v7 =	vxor.u32 $0x80000000, v7  }
0xb7: {  	s15 =	sadd.s32 $0x1, s15;
	v6 =	vmul.f32 v7, v6  }
0xb8: {  	p0 =	sne.s32 s15, s7  }
.Ltmp1:
0xb9: {  	[tilespmem:$0xD280] =	vst v6;
	(pc) =	sbr.rel @p0 .LBB2_1-.Ltmp1, $4  }
0xba: {  	[hbm4b:s6+s2] =	stream.linear.scatter [tilespmem:s13], [sflag:$0x2], $0x10, $0x38;
	[tilespmem:$0xD300] =	vst v63  }
0xbb: {  	_ =	swait.ge [sflag:s11], $0x10  }
0xbc: {  	[sflag:s11] =	ssyncset.done $0x0  }
0xbd: {  	[sflag:s11] =	ssyncadd.s32 $0xFFFFFFF0  }
0xbe: {  	_ =	sfence.sel $0x180000  }
0xbf: {  	[bflag:$0x0] =	sbarrier.arrive $0xFFFF  }
0xc0: {  	p0 =	sne.s32 s3, $0x0;
	_ =	strace $0x90000047  }
0xc1: {  	s0 =	sadd.s32 @!p0 $0x100000, s1;
	[bflag:$0x2] =	sbarrier.arrive $0xFFFF  }
0xc2: {  	[sflag:s0] =	ssyncadd.tile.s32 @!p0 $0x1;
	_ =	shalt  }
.Lfunc_end2:
_tile_overlayer_lowered:
.L_overlay_start_2:
0xc3: {  	(tag) =	ssettag $0x2  }
0xc4: {  	s0 =	rddreg [dreg:$0x0];
	s2 =	stileid.u32  }
0xc5: {  	s1 =	rddreg [dreg:$0x1];
	p0 =	sne.s32 s2, $0x0  }
0xc6: {  	s3 =	rddreg [dreg:$0x2];
	[bflag:$0x3] =	sbarrier.arrive $0xFFFF;
	s2 =	simm.s32 @!p0 $0x1C02  }
0xc7: {  	[timem:s3], [sflag:s2] =	dma.local @!p0 [hbm:s0], s1  }
0xc8: {  	s0 =	simm.s32 @!p0 $0x2  }
0xc9: {  	_ =	swait.ge @!p0 [sflag:s0], s1  }
0xca: {  	s1 =	ssub.s32 @!p0 $0x0, s1;
	[sflag:s0] =	ssyncset.done @!p0 $0x0  }
0xcb: {  	[sflag:s0] =	ssyncadd.s32 @!p0 s1  }
0xcc: {  	[bflag:$0x3] =	sbarrier.arrive $0xFFFF  }
0xcd: {  	_ =	shalt  }

</sc_bundles>
